<compile_context>
chip_gen: v7x
topology: tpu7x:2x2x1
jax: 0.10.2.dev20260603
libtpu: 0.0.44.dev20260713+nightly
codegen_flags: <defaults>
</compile_context>

<pallas_src>
import jax
import jax.numpy as jnp
from jax import lax
from jax.experimental import pallas as pl
from jax.experimental.pallas import tpu as pltpu
from jax.experimental.pallas import tpu_sc as plsc

N = 10000
D = 128
E = 320000

NC = 2
NS = 16
NQ = 4
QD = D // NQ

CHUNK = 128
CPE = 160
HCPE = CPE // NC
EP = NS * CPE * CHUNK
NPAD = 10240
RPS = NPAD // NS
TRS = N // NS
NSLOT = 4
K = 2

_mesh = plsc.VectorSubcoreMesh(
    core_axis_name="c", subcore_axis_name="s", num_cores=NC, num_subcores=NS
)


def _sc_deg_body(dst_hbm, degp_hbm, dstv, ones_v, zero_v, dacc, dsem):
    c = lax.axis_index("c")
    s = lax.axis_index("s")
    for i in range(CHUNK // 16):
        ones_v[pl.ds(i * 16, 16)] = jnp.ones((16,), jnp.float32)
        zero_v[pl.ds(i * 16, 16)] = jnp.zeros((16,), jnp.float32)
    for r in range(RPS // CHUNK):
        pltpu.sync_copy(zero_v, dacc.at[pl.ds(s * RPS + r * CHUNK, CHUNK)])
    plsc.subcore_barrier()
    pltpu.sync_copy(dst_hbm.at[s].at[pl.ds(c * HCPE, HCPE)], dstv)

    @pl.loop(0, HCPE)
    def _(j):
        pltpu.async_copy(ones_v, dacc.at[dstv.at[j]], dsem, add=True)

        @pl.when(j >= 8)
        def _():
            pltpu.make_async_copy(ones_v, dacc.at[dstv.at[j - 8]], dsem).wait()

    for j in range(8):
        pltpu.make_async_copy(ones_v, dacc.at[dstv.at[HCPE - 8 + j]], dsem).wait()

    plsc.subcore_barrier()
    pltpu.sync_copy(dacc.at[pl.ds(s * RPS, RPS)], degp_hbm.at[c, pl.ds(s * RPS, RPS)])


@jax.jit
def _sc_deg(dst3):
    kern = pl.kernel(
        _sc_deg_body,
        out_type=jax.ShapeDtypeStruct((NC, NPAD), jnp.float32),
        mesh=_mesh,
        scratch_types=[
            pltpu.VMEM((HCPE, CHUNK), jnp.int32),
            pltpu.VMEM((CHUNK,), jnp.float32),
            pltpu.VMEM((CHUNK,), jnp.float32),
            pltpu.VMEM_SHARED((NPAD,), jnp.float32),
            pltpu.SemaphoreType.DMA,
        ],
    )
    return kern(dst3)


def _sc_agg_body(hs_hbm, src_hbm, dst_hbm, out_hbm, srcv, dstv, *rest):
    bufs = list(rest[:NSLOT])
    zblk = rest[NSLOT]
    tbl = rest[NSLOT + 1]
    acc = rest[NSLOT + 2]
    gsems = list(rest[NSLOT + 3:NSLOT + 3 + NSLOT])
    ssems = list(rest[NSLOT + 3 + NSLOT:])
    c = lax.axis_index("c")
    s = lax.axis_index("s")
    pltpu.sync_copy(src_hbm.at[s], srcv)
    pltpu.sync_copy(dst_hbm.at[s], dstv)
    for i in range(CHUNK):
        for j in range(QD // 16):
            zblk.at[i, pl.ds(j * 16, 16)][...] = jnp.zeros((16,), jnp.float32)

    for q in range(NC):
        qi = c * NC + q
        pltpu.async_copy(
            hs_hbm.at[pl.ds(s * TRS, TRS), pl.ds(qi * QD, QD)],
            tbl.at[pl.ds(s * TRS, TRS)],
            gsems[0],
        )
        for r in range(RPS // CHUNK):
            pltpu.async_copy(
                zblk, acc.at[pl.ds(s * RPS + r * CHUNK, CHUNK)], gsems[1]
            )
        pltpu.make_async_copy(
            hs_hbm.at[pl.ds(s * TRS, TRS), pl.ds(qi * QD, QD)],
            tbl.at[pl.ds(s * TRS, TRS)],
            gsems[0],
        ).wait()
        for r in range(RPS // CHUNK):
            pltpu.make_async_copy(
                zblk, acc.at[pl.ds(s * RPS + r * CHUNK, CHUNK)], gsems[1]
            ).wait()
        plsc.subcore_barrier()

        for b in range(K):
            pltpu.async_copy(tbl.at[srcv.at[b]], bufs[b], gsems[b])

        for b in range(NSLOT):
            nxt = b + K
            bn = (b + K) % NSLOT
            if nxt >= NSLOT:
                pltpu.make_async_copy(
                    bufs[bn], acc.at[dstv.at[nxt - NSLOT]], ssems[bn]
                ).wait()
            pltpu.async_copy(tbl.at[srcv.at[nxt]], bufs[bn], gsems[bn])
            pltpu.make_async_copy(tbl.at[srcv.at[b]], bufs[b], gsems[b]).wait()
            pltpu.async_copy(bufs[b], acc.at[dstv.at[b]], ssems[b], add=True)

        @pl.loop(NSLOT, CPE - NSLOT, step=NSLOT)
        def _(j0):
            for b in range(NSLOT):
                jj = j0 + b
                nxt = jj + K
                bn = (b + K) % NSLOT
                pltpu.make_async_copy(
                    bufs[bn], acc.at[dstv.at[nxt - NSLOT]], ssems[bn]
                ).wait()
                pltpu.async_copy(tbl.at[srcv.at[nxt]], bufs[bn], gsems[bn])
                pltpu.make_async_copy(tbl.at[srcv.at[jj]], bufs[b], gsems[b]).wait()
                pltpu.async_copy(bufs[b], acc.at[dstv.at[jj]], ssems[b], add=True)

        for b in range(NSLOT):
            jj = CPE - NSLOT + b
            nxt = jj + K
            bn = (b + K) % NSLOT
            if nxt < CPE:
                pltpu.make_async_copy(
                    bufs[bn], acc.at[dstv.at[nxt - NSLOT]], ssems[bn]
                ).wait()
                pltpu.async_copy(tbl.at[srcv.at[nxt]], bufs[bn], gsems[bn])
            pltpu.make_async_copy(tbl.at[srcv.at[jj]], bufs[b], gsems[b]).wait()
            pltpu.async_copy(bufs[b], acc.at[dstv.at[jj]], ssems[b], add=True)

        for b in range(NSLOT):
            pltpu.make_async_copy(
                bufs[b], acc.at[dstv.at[CPE - NSLOT + b]], ssems[b]
            ).wait()

        plsc.subcore_barrier()
        pltpu.sync_copy(
            acc.at[pl.ds(s * RPS, RPS)],
            out_hbm.at[pl.ds(s * RPS, RPS), pl.ds(qi * QD, QD)],
        )
        plsc.subcore_barrier()


@jax.jit
def _sc_agg(hs, src3, dst3):
    kern = pl.kernel(
        _sc_agg_body,
        out_type=jax.ShapeDtypeStruct((NPAD, D), jnp.float32),
        mesh=_mesh,
        compiler_params=pltpu.CompilerParams(use_tc_tiling_on_sc=False),
        scratch_types=[
            pltpu.VMEM((CPE, CHUNK), jnp.int32),
            pltpu.VMEM((CPE, CHUNK), jnp.int32),
        ]
        + [pltpu.VMEM((CHUNK, QD), jnp.float32) for _ in range(NSLOT)]
        + [
            pltpu.VMEM((CHUNK, QD), jnp.float32),
            pltpu.VMEM_SHARED((N, QD), jnp.float32),
            pltpu.VMEM_SHARED((NPAD, QD), jnp.float32),
        ]
        + [pltpu.SemaphoreType.DMA for _ in range(2 * NSLOT)],
    )
    return kern(hs, src3, dst3)


def _tc1_body(degp_ref, x_ref, w_ref, dinv_ref, hs_ref):
    deg = degp_ref[0, :N] + degp_ref[1, :N] + 1.0
    di = lax.rsqrt(deg)[:, None]
    dinv_ref[...] = di
    hs_ref[...] = (
        jnp.dot(x_ref[...], w_ref[...], preferred_element_type=jnp.float32) * di
    )


def _tc2_body(accp_ref, hs_ref, dinv_ref, b_ref, w_ref, out_ref):
    di = dinv_ref[...]
    z = (accp_ref[:N, :] + hs_ref[...]) * di + b_ref[...]
    h = jnp.maximum(z, 0.0)
    out_ref[...] = (
        jnp.dot(h, w_ref[...], preferred_element_type=jnp.float32) * di
    )


def _tc3_body(accp_ref, hs_ref, dinv_ref, b_ref, out_ref):
    di = dinv_ref[...]
    out_ref[...] = (accp_ref[:N, :] + hs_ref[...]) * di + b_ref[...]


@jax.jit
def _run(x, src3, dst3, W1, b1, W2, b2):
    degp = _sc_deg(dst3)
    dinv, hs1 = pl.pallas_call(
        _tc1_body,
        out_shape=(
            jax.ShapeDtypeStruct((N, 1), jnp.float32),
            jax.ShapeDtypeStruct((N, D), jnp.float32),
        ),
    )(degp, x, W1)
    acc1 = _sc_agg(hs1, src3, dst3)
    hs2 = pl.pallas_call(
        _tc2_body,
        out_shape=jax.ShapeDtypeStruct((N, D), jnp.float32),
    )(acc1, hs1, dinv, b1, W2)
    acc2 = _sc_agg(hs2, src3, dst3)
    out = pl.pallas_call(
        _tc3_body,
        out_shape=jax.ShapeDtypeStruct((N, D), jnp.float32),
    )(acc2, hs2, dinv, b2)
    return out


def kernel(x, edge_index, W1, b1, W2, b2):
    src = edge_index[0].astype(jnp.int32)
    dst = edge_index[1].astype(jnp.int32)
    pad = EP - E
    src3 = jnp.concatenate([src, jnp.zeros((pad,), jnp.int32)]).reshape(NS, CPE, CHUNK)
    dst3 = jnp.concatenate([dst, jnp.full((pad,), N, jnp.int32)]).reshape(NS, CPE, CHUNK)
    return _run(x, src3, dst3, W1, b1, W2, b2)

# --- scband reference (transcript-rebuilt; emitter-appended) ---
"""Pipeline reference for scband-label-gcn-76811195122234 (READ-ONLY COPY).

The authoritative reference and input builder live on the scoring server;
editing this copy changes nothing except your own understanding.
"""

import jax, jax.numpy as jnp
import numpy as np

N_NODES = 10000
D = 128
N_EDGES = 320000


def gcn_conv(x, edge_index, W, b):
    # PyG GCNConv: lin(x), add self-loops, symmetric gcn_norm, scatter-add aggregate, + bias
    n = x.shape[0]
    h = x @ W
    src = edge_index[0]
    dst = edge_index[1]
    loop = jnp.arange(n, dtype=src.dtype)
    src = jnp.concatenate([src, loop])
    dst = jnp.concatenate([dst, loop])
    ew = jnp.ones(src.shape[0], dtype=h.dtype)
    deg = jnp.zeros((n,), dtype=h.dtype).at[dst].add(ew)
    deg_inv_sqrt = jnp.where(deg > 0, jax.lax.rsqrt(jnp.maximum(deg, 1e-12)), 0.0)
    norm = deg_inv_sqrt[src] * ew * deg_inv_sqrt[dst]
    msg = h[src] * norm[:, None]
    out = jnp.zeros_like(h).at[dst].add(msg)
    return out + b


def setup_inputs(seed: int = 0) -> dict:
    key = jax.random.key(seed)
    k1, k2, k3, k4, k5 = jax.random.split(key, 5)
    x = jax.random.normal(k1, (N_NODES, D), dtype=jnp.float32)
    edge_index = jax.random.randint(k2, (2, N_EDGES), 0, N_NODES, dtype=jnp.int64)
    s = 1.0 / np.sqrt(D)
    W1 = jax.random.uniform(k3, (D, D), dtype=jnp.float32, minval=-s, maxval=s)
    W2 = jax.random.uniform(k4, (D, D), dtype=jnp.float32, minval=-s, maxval=s)
    b1 = jnp.zeros((D,), dtype=jnp.float32)
    b2 = jnp.zeros((D,), dtype=jnp.float32)
    return {"x": x, "edge_index": edge_index, "W1": W1, "b1": b1, "W2": W2, "b2": b2}


def reference(x, edge_index, W1, b1, W2, b2):
    h = gcn_conv(x, edge_index, W1, b1)
    h = jax.nn.relu(h)
    # F.dropout(x, training=self.training) -> identity in eval / deterministic reference
    out = gcn_conv(h, edge_index, W2, b2)
    return out

if __name__ == "__main__":
    import jax
    _d = setup_inputs()
    print(jax.jit(kernel)(*tuple(_d.values())))

</pallas_src>

<mosaic_0001>
#map = affine_map<(d0, d1) -> (0, 0, 0)>
#map1 = affine_map<(d0, d1) -> (0, 0)>
module attributes {stable_mosaic.version = 14 : i64} {
  func.func @_sc_deg_body(%arg0: i32, %arg1: i32, %arg2: memref<16x160x128xi32, #tpu.memory_space<hbm>>, %arg3: memref<2x10240xf32, #tpu.memory_space<hbm>>, %arg4: memref<80x128xi32, #tpu.memory_space<vmem>>, %arg5: memref<128xf32, #tpu.memory_space<vmem>>, %arg6: memref<128xf32, #tpu.memory_space<vmem>>, %arg7: memref<10240xf32, #tpu.memory_space<vmem_shared>>, %arg8: memref<!tpu.dma_semaphore, #tpu.memory_space<semaphore_mem>>) attributes {dimension_semantics = [#tpu.dimension_semantics<core_parallel>, #tpu.dimension_semantics<subcore_parallel>], iteration_bounds = array<i64: 2, 16>, scalar_prefetch = 0 : i64, scratch_operands = 5 : i64, tpu.core_type = #tpu.core_type<sc_vector_subcore>, window_params = [{transform_indices = #map}, {transform_indices = #map1}]} {
    %broadcast_in_dim3A = arith.constant 1.000000e+00 : f32
    %broadcast_in_dim3A_0 = vector.broadcast %broadcast_in_dim3A : f32 to vector<16xf32>
    %swap3A = arith.constant 0 : index
    %swap3A_1 = tpu.vector_load %arg5[%swap3A] {strides = array<i32>} : memref<128xf32, #tpu.memory_space<vmem>>, vector<16xf32>,
    %swap3A_2 = vector.shape_cast %swap3A_1 : vector<16xf32> to vector<16xf32>
    %swap3A_3 = vector.shape_cast %broadcast_in_dim3A_0 : vector<16xf32> to vector<16xf32>
    tpu.vector_store %arg5[%swap3A], %swap3A_3 {strides = array<i32>} : memref<128xf32, #tpu.memory_space<vmem>>, vector<16xf32>,
    %broadcast_in_dim3A_4 = arith.constant 0.000000e+00 : f32
    %broadcast_in_dim3A_5 = vector.broadcast %broadcast_in_dim3A_4 : f32 to vector<16xf32>
    %swap3A_6 = arith.constant 0 : index
    %swap3A_7 = tpu.vector_load %arg6[%swap3A_6] {strides = array<i32>} : memref<128xf32, #tpu.memory_space<vmem>>, vector<16xf32>,
    %swap3A_8 = vector.shape_cast %swap3A_7 : vector<16xf32> to vector<16xf32>
    %swap3A_9 = vector.shape_cast %broadcast_in_dim3A_5 : vector<16xf32> to vector<16xf32>
    tpu.vector_store %arg6[%swap3A_6], %swap3A_9 {strides = array<i32>} : memref<128xf32, #tpu.memory_space<vmem>>, vector<16xf32>,
    %broadcast_in_dim3A_10 = arith.constant 1.000000e+00 : f32
    %broadcast_in_dim3A_11 = vector.broadcast %broadcast_in_dim3A_10 : f32 to vector<16xf32>
    %swap3A_12 = arith.constant 16 : index
    %swap3A_13 = tpu.vector_load %arg5[%swap3A_12] {strides = array<i32>} : memref<128xf32, #tpu.memory_space<vmem>>, vector<16xf32>,
    %swap3A_14 = vector.shape_cast %swap3A_13 : vector<16xf32> to vector<16xf32>
    %swap3A_15 = vector.shape_cast %broadcast_in_dim3A_11 : vector<16xf32> to vector<16xf32>
    tpu.vector_store %arg5[%swap3A_12], %swap3A_15 {strides = array<i32>} : memref<128xf32, #tpu.memory_space<vmem>>, vector<16xf32>,
    %broadcast_in_dim3A_16 = arith.constant 0.000000e+00 : f32
    %broadcast_in_dim3A_17 = vector.broadcast %broadcast_in_dim3A_16 : f32 to vector<16xf32>
    %swap3A_18 = arith.constant 16 : index
    %swap3A_19 = tpu.vector_load %arg6[%swap3A_18] {strides = array<i32>} : memref<128xf32, #tpu.memory_space<vmem>>, vector<16xf32>,
    %swap3A_20 = vector.shape_cast %swap3A_19 : vector<16xf32> to vector<16xf32>
    %swap3A_21 = vector.shape_cast %broadcast_in_dim3A_17 : vector<16xf32> to vector<16xf32>
    tpu.vector_store %arg6[%swap3A_18], %swap3A_21 {strides = array<i32>} : memref<128xf32, #tpu.memory_space<vmem>>, vector<16xf32>,
    %broadcast_in_dim3A_22 = arith.constant 1.000000e+00 : f32
    %broadcast_in_dim3A_23 = vector.broadcast %broadcast_in_dim3A_22 : f32 to vector<16xf32>
    %swap3A_24 = arith.constant 32 : index
    %swap3A_25 = tpu.vector_load %arg5[%swap3A_24] {strides = array<i32>} : memref<128xf32, #tpu.memory_space<vmem>>, vector<16xf32>,
    %swap3A_26 = vector.shape_cast %swap3A_25 : vector<16xf32> to vector<16xf32>
    %swap3A_27 = vector.shape_cast %broadcast_in_dim3A_23 : vector<16xf32> to vector<16xf32>
    tpu.vector_store %arg5[%swap3A_24], %swap3A_27 {strides = array<i32>} : memref<128xf32, #tpu.memory_space<vmem>>, vector<16xf32>,
    %broadcast_in_dim3A_28 = arith.constant 0.000000e+00 : f32
    %broadcast_in_dim3A_29 = vector.broadcast %broadcast_in_dim3A_28 : f32 to vector<16xf32>
    %swap3A_30 = arith.constant 32 : index
    %swap3A_31 = tpu.vector_load %arg6[%swap3A_30] {strides = array<i32>} : memref<128xf32, #tpu.memory_space<vmem>>, vector<16xf32>,
    %swap3A_32 = vector.shape_cast %swap3A_31 : vector<16xf32> to vector<16xf32>
    %swap3A_33 = vector.shape_cast %broadcast_in_dim3A_29 : vector<16xf32> to vector<16xf32>
    tpu.vector_store %arg6[%swap3A_30], %swap3A_33 {strides = array<i32>} : memref<128xf32, #tpu.memory_space<vmem>>, vector<16xf32>,
    %broadcast_in_dim3A_34 = arith.constant 1.000000e+00 : f32
    %broadcast_in_dim3A_35 = vector.broadcast %broadcast_in_dim3A_34 : f32 to vector<16xf32>
    %swap3A_36 = arith.constant 48 : index
    %swap3A_37 = tpu.vector_load %arg5[%swap3A_36] {strides = array<i32>} : memref<128xf32, #tpu.memory_space<vmem>>, vector<16xf32>,
    %swap3A_38 = vector.shape_cast %swap3A_37 : vector<16xf32> to vector<16xf32>
    %swap3A_39 = vector.shape_cast %broadcast_in_dim3A_35 : vector<16xf32> to vector<16xf32>
    tpu.vector_store %arg5[%swap3A_36], %swap3A_39 {strides = array<i32>} : memref<128xf32, #tpu.memory_space<vmem>>, vector<16xf32>,
    %broadcast_in_dim3A_40 = arith.constant 0.000000e+00 : f32
    %broadcast_in_dim3A_41 = vector.broadcast %broadcast_in_dim3A_40 : f32 to vector<16xf32>
    %swap3A_42 = arith.constant 48 : index
    %swap3A_43 = tpu.vector_load %arg6[%swap3A_42] {strides = array<i32>} : memref<128xf32, #tpu.memory_space<vmem>>, vector<16xf32>,
    %swap3A_44 = vector.shape_cast %swap3A_43 : vector<16xf32> to vector<16xf32>
    %swap3A_45 = vector.shape_cast %broadcast_in_dim3A_41 : vector<16xf32> to vector<16xf32>
    tpu.vector_store %arg6[%swap3A_42], %swap3A_45 {strides = array<i32>} : memref<128xf32, #tpu.memory_space<vmem>>, vector<16xf32>,
    %broadcast_in_dim3A_46 = arith.constant 1.000000e+00 : f32
    %broadcast_in_dim3A_47 = vector.broadcast %broadcast_in_dim3A_46 : f32 to vector<16xf32>
    %swap3A_48 = arith.constant 64 : index
    %swap3A_49 = tpu.vector_load %arg5[%swap3A_48] {strides = array<i32>} : memref<128xf32, #tpu.memory_space<vmem>>, vector<16xf32>,
    %swap3A_50 = vector.shape_cast %swap3A_49 : vector<16xf32> to vector<16xf32>
    %swap3A_51 = vector.shape_cast %broadcast_in_dim3A_47 : vector<16xf32> to vector<16xf32>
    tpu.vector_store %arg5[%swap3A_48], %swap3A_51 {strides = array<i32>} : memref<128xf32, #tpu.memory_space<vmem>>, vector<16xf32>,
    %broadcast_in_dim3A_52 = arith.constant 0.000000e+00 : f32
    %broadcast_in_dim3A_53 = vector.broadcast %broadcast_in_dim3A_52 : f32 to vector<16xf32>
    %swap3A_54 = arith.constant 64 : index
    %swap3A_55 = tpu.vector_load %arg6[%swap3A_54] {strides = array<i32>} : memref<128xf32, #tpu.memory_space<vmem>>, vector<16xf32>,
    %swap3A_56 = vector.shape_cast %swap3A_55 : vector<16xf32> to vector<16xf32>
    %swap3A_57 = vector.shape_cast %broadcast_in_dim3A_53 : vector<16xf32> to vector<16xf32>
    tpu.vector_store %arg6[%swap3A_54], %swap3A_57 {strides = array<i32>} : memref<128xf32, #tpu.memory_space<vmem>>, vector<16xf32>,
    %broadcast_in_dim3A_58 = arith.constant 1.000000e+00 : f32
    %broadcast_in_dim3A_59 = vector.broadcast %broadcast_in_dim3A_58 : f32 to vector<16xf32>
    %swap3A_60 = arith.constant 80 : index
    %swap3A_61 = tpu.vector_load %arg5[%swap3A_60] {strides = array<i32>} : memref<128xf32, #tpu.memory_space<vmem>>, vector<16xf32>,
    %swap3A_62 = vector.shape_cast %swap3A_61 : vector<16xf32> to vector<16xf32>
    %swap3A_63 = vector.shape_cast %broadcast_in_dim3A_59 : vector<16xf32> to vector<16xf32>
    tpu.vector_store %arg5[%swap3A_60], %swap3A_63 {strides = array<i32>} : memref<128xf32, #tpu.memory_space<vmem>>, vector<16xf32>,
    %broadcast_in_dim3A_64 = arith.constant 0.000000e+00 : f32
    %broadcast_in_dim3A_65 = vector.broadcast %broadcast_in_dim3A_64 : f32 to vector<16xf32>
    %swap3A_66 = arith.constant 80 : index
    %swap3A_67 = tpu.vector_load %arg6[%swap3A_66] {strides = array<i32>} : memref<128xf32, #tpu.memory_space<vmem>>, vector<16xf32>,
    %swap3A_68 = vector.shape_cast %swap3A_67 : vector<16xf32> to vector<16xf32>
    %swap3A_69 = vector.shape_cast %broadcast_in_dim3A_65 : vector<16xf32> to vector<16xf32>
    tpu.vector_store %arg6[%swap3A_66], %swap3A_69 {strides = array<i32>} : memref<128xf32, #tpu.memory_space<vmem>>, vector<16xf32>,
    %broadcast_in_dim3A_70 = arith.constant 1.000000e+00 : f32
    %broadcast_in_dim3A_71 = vector.broadcast %broadcast_in_dim3A_70 : f32 to vector<16xf32>
    %swap3A_72 = arith.constant 96 : index
    %swap3A_73 = tpu.vector_load %arg5[%swap3A_72] {strides = array<i32>} : memref<128xf32, #tpu.memory_space<vmem>>, vector<16xf32>,
    %swap3A_74 = vector.shape_cast %swap3A_73 : vector<16xf32> to vector<16xf32>
    %swap3A_75 = vector.shape_cast %broadcast_in_dim3A_71 : vector<16xf32> to vector<16xf32>
    tpu.vector_store %arg5[%swap3A_72], %swap3A_75 {strides = array<i32>} : memref<128xf32, #tpu.memory_space<vmem>>, vector<16xf32>,
    %broadcast_in_dim3A_76 = arith.constant 0.000000e+00 : f32
    %broadcast_in_dim3A_77 = vector.broadcast %broadcast_in_dim3A_76 : f32 to vector<16xf32>
    %swap3A_78 = arith.constant 96 : index
    %swap3A_79 = tpu.vector_load %arg6[%swap3A_78] {strides = array<i32>} : memref<128xf32, #tpu.memory_space<vmem>>, vector<16xf32>,
    %swap3A_80 = vector.shape_cast %swap3A_79 : vector<16xf32> to vector<16xf32>
    %swap3A_81 = vector.shape_cast %broadcast_in_dim3A_77 : vector<16xf32> to vector<16xf32>
    tpu.vector_store %arg6[%swap3A_78], %swap3A_81 {strides = array<i32>} : memref<128xf32, #tpu.memory_space<vmem>>, vector<16xf32>,
    %broadcast_in_dim3A_82 = arith.constant 1.000000e+00 : f32
    %broadcast_in_dim3A_83 = vector.broadcast %broadcast_in_dim3A_82 : f32 to vector<16xf32>
    %swap3A_84 = arith.constant 112 : index
    %swap3A_85 = tpu.vector_load %arg5[%swap3A_84] {strides = array<i32>} : memref<128xf32, #tpu.memory_space<vmem>>, vector<16xf32>,
    %swap3A_86 = vector.shape_cast %swap3A_85 : vector<16xf32> to vector<16xf32>
    %swap3A_87 = vector.shape_cast %broadcast_in_dim3A_83 : vector<16xf32> to vector<16xf32>
    tpu.vector_store %arg5[%swap3A_84], %swap3A_87 {strides = array<i32>} : memref<128xf32, #tpu.memory_space<vmem>>, vector<16xf32>,
    %broadcast_in_dim3A_88 = arith.constant 0.000000e+00 : f32
    %broadcast_in_dim3A_89 = vector.broadcast %broadcast_in_dim3A_88 : f32 to vector<16xf32>
    %swap3A_90 = arith.constant 112 : index
    %swap3A_91 = tpu.vector_load %arg6[%swap3A_90] {strides = array<i32>} : memref<128xf32, #tpu.memory_space<vmem>>, vector<16xf32>,
    %swap3A_92 = vector.shape_cast %swap3A_91 : vector<16xf32> to vector<16xf32>
    %swap3A_93 = vector.shape_cast %broadcast_in_dim3A_89 : vector<16xf32> to vector<16xf32>
    tpu.vector_store %arg6[%swap3A_90], %swap3A_93 {strides = array<i32>} : memref<128xf32, #tpu.memory_space<vmem>>, vector<16xf32>,
    %mul3A = arith.constant 640 : i32
    %mul3A_94 = arith.muli %arg1, %mul3A : i32
    %add3A = arith.constant 0 : i32
    %add3A_95 = arith.addi %mul3A_94, %add3A : i32
    "tpu.region"() ({
      %run_scoped3A = tpu.sem_alloc : memref<!tpu.dma_semaphore, #tpu.memory_space<semaphore_mem>>
      %dma_start3A = tpu.memref_slice %arg7[%add3A_95] : memref<10240xf32, #tpu.memory_space<vmem_shared>> -> memref<128xf32, #tpu.memory_space<vmem_shared>>
      %dma_start3A_170 = tpu.memref_slice %arg7[%add3A_95] : memref<10240xf32, #tpu.memory_space<vmem_shared>> -> memref<128xf32, #tpu.memory_space<vmem_shared>>
      tpu.enqueue_dma source(%arg6 : memref<128xf32, #tpu.memory_space<vmem>>) target(%dma_start3A_170 : memref<128xf32, #tpu.memory_space<vmem_shared>>) target_semaphore(%run_scoped3A : memref<!tpu.dma_semaphore, #tpu.memory_space<semaphore_mem>>)
      %dma_wait3A_171 = tpu.memref_slice %arg7[%add3A_95] : memref<10240xf32, #tpu.memory_space<vmem_shared>> -> memref<128xf32, #tpu.memory_space<vmem_shared>>
      %dma_wait3A_172 = tpu.memref_slice %arg7[%add3A_95] : memref<10240xf32, #tpu.memory_space<vmem_shared>> -> memref<128xf32, #tpu.memory_space<vmem_shared>>
      tpu.wait_dma2 semaphore(%run_scoped3A : memref<!tpu.dma_semaphore, #tpu.memory_space<semaphore_mem>>) src(%arg6 : memref<128xf32, #tpu.memory_space<vmem>>) dst(%dma_wait3A_172 : memref<128xf32, #tpu.memory_space<vmem_shared>>)
      tpu.yield
    }) : () -> ()
    %mul3A_96 = arith.constant 640 : i32
    %mul3A_97 = arith.muli %arg1, %mul3A_96 : i32
    %add3A_98 = arith.constant 128 : i32
    %add3A_99 = arith.addi %mul3A_97, %add3A_98 : i32
    "tpu.region"() ({
      %run_scoped3A = tpu.sem_alloc : memref<!tpu.dma_semaphore, #tpu.memory_space<semaphore_mem>>
      %dma_start3A = tpu.memref_slice %arg7[%add3A_99] : memref<10240xf32, #tpu.memory_space<vmem_shared>> -> memref<128xf32, #tpu.memory_space<vmem_shared>>
      %dma_start3A_170 = tpu.memref_slice %arg7[%add3A_99] : memref<10240xf32, #tpu.memory_space<vmem_shared>> -> memref<128xf32, #tpu.memory_space<vmem_shared>>
      tpu.enqueue_dma source(%arg6 : memref<128xf32, #tpu.memory_space<vmem>>) target(%dma_start3A_170 : memref<128xf32, #tpu.memory_space<vmem_shared>>) target_semaphore(%run_scoped3A : memref<!tpu.dma_semaphore, #tpu.memory_space<semaphore_mem>>)
      %dma_wait3A_171 = tpu.memref_slice %arg7[%add3A_99] : memref<10240xf32, #tpu.memory_space<vmem_shared>> -> memref<128xf32, #tpu.memory_space<vmem_shared>>
      %dma_wait3A_172 = tpu.memref_slice %arg7[%add3A_99] : memref<10240xf32, #tpu.memory_space<vmem_shared>> -> memref<128xf32, #tpu.memory_space<vmem_shared>>
      tpu.wait_dma2 semaphore(%run_scoped3A : memref<!tpu.dma_semaphore, #tpu.memory_space<semaphore_mem>>) src(%arg6 : memref<128xf32, #tpu.memory_space<vmem>>) dst(%dma_wait3A_172 : memref<128xf32, #tpu.memory_space<vmem_shared>>)
      tpu.yield
    }) : () -> ()
    %mul3A_100 = arith.constant 640 : i32
    %mul3A_101 = arith.muli %arg1, %mul3A_100 : i32
    %add3A_102 = arith.constant 256 : i32
    %add3A_103 = arith.addi %mul3A_101, %add3A_102 : i32
    "tpu.region"() ({
      %run_scoped3A = tpu.sem_alloc : memref<!tpu.dma_semaphore, #tpu.memory_space<semaphore_mem>>
      %dma_start3A = tpu.memref_slice %arg7[%add3A_103] : memref<10240xf32, #tpu.memory_space<vmem_shared>> -> memref<128xf32, #tpu.memory_space<vmem_shared>>
      %dma_start3A_170 = tpu.memref_slice %arg7[%add3A_103] : memref<10240xf32, #tpu.memory_space<vmem_shared>> -> memref<128xf32, #tpu.memory_space<vmem_shared>>
      tpu.enqueue_dma source(%arg6 : memref<128xf32, #tpu.memory_space<vmem>>) target(%dma_start3A_170 : memref<128xf32, #tpu.memory_space<vmem_shared>>) target_semaphore(%run_scoped3A : memref<!tpu.dma_semaphore, #tpu.memory_space<semaphore_mem>>)
      %dma_wait3A_171 = tpu.memref_slice %arg7[%add3A_103] : memref<10240xf32, #tpu.memory_space<vmem_shared>> -> memref<128xf32, #tpu.memory_space<vmem_shared>>
      %dma_wait3A_172 = tpu.memref_slice %arg7[%add3A_103] : memref<10240xf32, #tpu.memory_space<vmem_shared>> -> memref<128xf32, #tpu.memory_space<vmem_shared>>
      tpu.wait_dma2 semaphore(%run_scoped3A : memref<!tpu.dma_semaphore, #tpu.memory_space<semaphore_mem>>) src(%arg6 : memref<128xf32, #tpu.memory_space<vmem>>) dst(%dma_wait3A_172 : memref<128xf32, #tpu.memory_space<vmem_shared>>)
      tpu.yield
    }) : () -> ()
    %mul3A_104 = arith.constant 640 : i32
    %mul3A_105 = arith.muli %arg1, %mul3A_104 : i32
    %add3A_106 = arith.constant 384 : i32
    %add3A_107 = arith.addi %mul3A_105, %add3A_106 : i32
    "tpu.region"() ({
      %run_scoped3A = tpu.sem_alloc : memref<!tpu.dma_semaphore, #tpu.memory_space<semaphore_mem>>
      %dma_start3A = tpu.memref_slice %arg7[%add3A_107] : memref<10240xf32, #tpu.memory_space<vmem_shared>> -> memref<128xf32, #tpu.memory_space<vmem_shared>>
      %dma_start3A_170 = tpu.memref_slice %arg7[%add3A_107] : memref<10240xf32, #tpu.memory_space<vmem_shared>> -> memref<128xf32, #tpu.memory_space<vmem_shared>>
      tpu.enqueue_dma source(%arg6 : memref<128xf32, #tpu.memory_space<vmem>>) target(%dma_start3A_170 : memref<128xf32, #tpu.memory_space<vmem_shared>>) target_semaphore(%run_scoped3A : memref<!tpu.dma_semaphore, #tpu.memory_space<semaphore_mem>>)
      %dma_wait3A_171 = tpu.memref_slice %arg7[%add3A_107] : memref<10240xf32, #tpu.memory_space<vmem_shared>> -> memref<128xf32, #tpu.memory_space<vmem_shared>>
      %dma_wait3A_172 = tpu.memref_slice %arg7[%add3A_107] : memref<10240xf32, #tpu.memory_space<vmem_shared>> -> memref<128xf32, #tpu.memory_space<vmem_shared>>
      tpu.wait_dma2 semaphore(%run_scoped3A : memref<!tpu.dma_semaphore, #tpu.memory_space<semaphore_mem>>) src(%arg6 : memref<128xf32, #tpu.memory_space<vmem>>) dst(%dma_wait3A_172 : memref<128xf32, #tpu.memory_space<vmem_shared>>)
      tpu.yield
    }) : () -> ()
    %mul3A_108 = arith.constant 640 : i32
    %mul3A_109 = arith.muli %arg1, %mul3A_108 : i32
    %add3A_110 = arith.constant 512 : i32
    %add3A_111 = arith.addi %mul3A_109, %add3A_110 : i32
    "tpu.region"() ({
      %run_scoped3A = tpu.sem_alloc : memref<!tpu.dma_semaphore, #tpu.memory_space<semaphore_mem>>
      %dma_start3A = tpu.memref_slice %arg7[%add3A_111] : memref<10240xf32, #tpu.memory_space<vmem_shared>> -> memref<128xf32, #tpu.memory_space<vmem_shared>>
      %dma_start3A_170 = tpu.memref_slice %arg7[%add3A_111] : memref<10240xf32, #tpu.memory_space<vmem_shared>> -> memref<128xf32, #tpu.memory_space<vmem_shared>>
      tpu.enqueue_dma source(%arg6 : memref<128xf32, #tpu.memory_space<vmem>>) target(%dma_start3A_170 : memref<128xf32, #tpu.memory_space<vmem_shared>>) target_semaphore(%run_scoped3A : memref<!tpu.dma_semaphore, #tpu.memory_space<semaphore_mem>>)
      %dma_wait3A_171 = tpu.memref_slice %arg7[%add3A_111] : memref<10240xf32, #tpu.memory_space<vmem_shared>> -> memref<128xf32, #tpu.memory_space<vmem_shared>>
      %dma_wait3A_172 = tpu.memref_slice %arg7[%add3A_111] : memref<10240xf32, #tpu.memory_space<vmem_shared>> -> memref<128xf32, #tpu.memory_space<vmem_shared>>
      tpu.wait_dma2 semaphore(%run_scoped3A : memref<!tpu.dma_semaphore, #tpu.memory_space<semaphore_mem>>) src(%arg6 : memref<128xf32, #tpu.memory_space<vmem>>) dst(%dma_wait3A_172 : memref<128xf32, #tpu.memory_space<vmem_shared>>)
      tpu.yield
    }) : () -> ()
    %barrier3A = arith.constant 0 : index
    tpu.barrier barrier_id(%barrier3A)
    %mul3A_112 = arith.constant 80 : i32
    %mul3A_113 = arith.muli %arg0, %mul3A_112 : i32
    "tpu.region"() ({
      %run_scoped3A = tpu.sem_alloc : memref<!tpu.dma_semaphore, #tpu.memory_space<semaphore_mem>>
      %dma_start3A = arith.constant 0 : i32
      %dma_start3A_170 = arith.constant 0 : i32
      %dma_start3A_171 = tpu.memref_slice %arg2[%arg1, %dma_start3A, %dma_start3A_170] : memref<16x160x128xi32, #tpu.memory_space<hbm>> -> memref<1x160x128xi32, #tpu.memory_space<hbm>>
      %dma_start3A_172 = tpu.memref_squeeze %dma_start3A_171 : memref<1x160x128xi32, #tpu.memory_space<hbm>> -> memref<160x128xi32, #tpu.memory_space<hbm>>
      %dma_start3A_173 = arith.constant 0 : i32
      %dma_start3A_174 = tpu.memref_slice %dma_start3A_172[%mul3A_113, %dma_start3A_173] : memref<160x128xi32, #tpu.memory_space<hbm>> -> memref<80x128xi32, #tpu.memory_space<hbm>>
      %dma_start3A_175 = arith.constant 0 : i32
      %dma_start3A_176 = arith.constant 0 : i32
      %dma_start3A_177 = tpu.memref_slice %arg2[%arg1, %dma_start3A_175, %dma_start3A_176] : memref<16x160x128xi32, #tpu.memory_space<hbm>> -> memref<1x160x128xi32, #tpu.memory_space<hbm>>
      %dma_start3A_178 = tpu.memref_squeeze %dma_start3A_177 : memref<1x160x128xi32, #tpu.memory_space<hbm>> -> memref<160x128xi32, #tpu.memory_space<hbm>>
      %dma_start3A_179 = arith.constant 0 : i32
      %dma_start3A_180 = tpu.memref_slice %dma_start3A_178[%mul3A_113, %dma_start3A_179] : memref<160x128xi32, #tpu.memory_space<hbm>> -> memref<80x128xi32, #tpu.memory_space<hbm>>
      tpu.enqueue_dma source(%dma_start3A_180 : memref<80x128xi32, #tpu.memory_space<hbm>>) target(%arg4 : memref<80x128xi32, #tpu.memory_space<vmem>>) target_semaphore(%run_scoped3A : memref<!tpu.dma_semaphore, #tpu.memory_space<semaphore_mem>>)
      %dma_wait3A_181 = arith.constant 0 : i32
      %dma_wait3A_182 = arith.constant 0 : i32
      %dma_wait3A_183 = tpu.memref_slice %arg2[%arg1, %dma_wait3A_181, %dma_wait3A_182] : memref<16x160x128xi32, #tpu.memory_space<hbm>> -> memref<1x160x128xi32, #tpu.memory_space<hbm>>
      %dma_wait3A_184 = tpu.memref_squeeze %dma_wait3A_183 : memref<1x160x128xi32, #tpu.memory_space<hbm>> -> memref<160x128xi32, #tpu.memory_space<hbm>>
      %dma_wait3A_185 = arith.constant 0 : i32
      %dma_wait3A_186 = tpu.memref_slice %dma_wait3A_184[%mul3A_113, %dma_wait3A_185] : memref<160x128xi32, #tpu.memory_space<hbm>> -> memref<80x128xi32, #tpu.memory_space<hbm>>
      %dma_wait3A_187 = arith.constant 0 : i32
      %dma_wait3A_188 = arith.constant 0 : i32
      %dma_wait3A_189 = tpu.memref_slice %arg2[%arg1, %dma_wait3A_187, %dma_wait3A_188] : memref<16x160x128xi32, #tpu.memory_space<hbm>> -> memref<1x160x128xi32, #tpu.memory_space<hbm>>
      %dma_wait3A_190 = tpu.memref_squeeze %dma_wait3A_189 : memref<1x160x128xi32, #tpu.memory_space<hbm>> -> memref<160x128xi32, #tpu.memory_space<hbm>>
      %dma_wait3A_191 = arith.constant 0 : i32
      %dma_wait3A_192 = tpu.memref_slice %dma_wait3A_190[%mul3A_113, %dma_wait3A_191] : memref<160x128xi32, #tpu.memory_space<hbm>> -> memref<80x128xi32, #tpu.memory_space<hbm>>
      tpu.wait_dma2 semaphore(%run_scoped3A : memref<!tpu.dma_semaphore, #tpu.memory_space<semaphore_mem>>) src(%dma_wait3A_192 : memref<80x128xi32, #tpu.memory_space<hbm>>) dst(%arg4 : memref<80x128xi32, #tpu.memory_space<vmem>>)
      tpu.yield
    }) : () -> ()
    %scan3A = arith.constant 0 : i32
    %scan3A_114 = arith.constant 80 : i32
    %scan3A_115 = arith.addi %scan3A, %scan3A_114 : i32
    %scan3A_116 = arith.constant 1 : i32
    scf.for %scan3A_170 = %scan3A to %scan3A_115 step %scan3A_116  : i32 {
      %mul3A_171 = arith.constant 1 : i32
      %mul3A_172 = arith.muli %scan3A_170, %mul3A_171 : i32
      %add3A_173 = arith.constant 0 : i32
      %add3A_174 = arith.addi %add3A_173, %mul3A_172 : i32
      %dma_start3A = arith.constant 0 : i32
      %dma_start3A_175 = tpu.memref_slice %arg4[%add3A_174, %dma_start3A] : memref<80x128xi32, #tpu.memory_space<vmem>> -> memref<1x128xi32, #tpu.memory_space<vmem>>
      %dma_start3A_176 = tpu.memref_squeeze %dma_start3A_175 : memref<1x128xi32, #tpu.memory_space<vmem>> -> memref<128xi32, #tpu.memory_space<vmem>>
      %dma_start3A_177 = arith.constant 0 : i32
      %dma_start3A_178 = tpu.memref_slice %arg7[%dma_start3A_177] : memref<10240xf32, #tpu.memory_space<vmem_shared>> -> memref<10240xf32, #tpu.memory_space<vmem_shared>>
      tpu.enqueue_indirect_dma source(%arg5 : memref<128xf32, #tpu.memory_space<vmem>>) target(%dma_start3A_178 : memref<10240xf32, #tpu.memory_space<vmem_shared>>) offsets(%dma_start3A_176 : memref<128xi32, #tpu.memory_space<vmem>>) semaphore(%arg8 : memref<!tpu.dma_semaphore, #tpu.memory_space<semaphore_mem>>) {add = true}
      %ge3A = arith.constant 8 : i32
      %ge3A_179 = arith.cmpi sge, %add3A_174, %ge3A : i32
      %convert_element_type3A = arith.extui %ge3A_179 : i1 to i32
      %cond3A = arith.constant 0 : i32
      %cond3A_180 = arith.cmpi ne, %convert_element_type3A, %cond3A : i32
      scf.if %cond3A_180 {
        %sub3A = arith.constant 8 : i32
        %sub3A_181 = arith.subi %add3A_174, %sub3A : i32
        %dma_wait3A_182 = arith.constant 0 : i32
        %dma_wait3A_183 = tpu.memref_slice %arg4[%sub3A_181, %dma_wait3A_182] : memref<80x128xi32, #tpu.memory_space<vmem>> -> memref<1x128xi32, #tpu.memory_space<vmem>>
        %dma_wait3A_184 = tpu.memref_squeeze %dma_wait3A_183 : memref<1x128xi32, #tpu.memory_space<vmem>> -> memref<128xi32, #tpu.memory_space<vmem>>
        %dma_wait3A_185 = arith.constant 0 : i32
        %dma_wait3A_186 = tpu.memref_slice %arg7[%dma_wait3A_185] : memref<10240xf32, #tpu.memory_space<vmem_shared>> -> memref<10240xf32, #tpu.memory_space<vmem_shared>>
        tpu.wait_indirect_dma semaphore(%arg8 : memref<!tpu.dma_semaphore, #tpu.memory_space<semaphore_mem>>) src(%arg5 : memref<128xf32, #tpu.memory_space<vmem>>) dst(%dma_wait3A_186 : memref<10240xf32, #tpu.memory_space<vmem_shared>>)
      } else {
      }
    }
    %scan3A_117 = arith.constant 80 : i32
    %dma_wait3A = arith.constant 72 : i32
    %dma_wait3A_118 = arith.constant 0 : i32
    %dma_wait3A_119 = tpu.memref_slice %arg4[%dma_wait3A, %dma_wait3A_118] : memref<80x128xi32, #tpu.memory_space<vmem>> -> memref<1x128xi32, #tpu.memory_space<vmem>>
    %dma_wait3A_120 = tpu.memref_squeeze %dma_wait3A_119 : memref<1x128xi32, #tpu.memory_space<vmem>> -> memref<128xi32, #tpu.memory_space<vmem>>
    %dma_wait3A_121 = arith.constant 0 : i32
    %dma_wait3A_122 = tpu.memref_slice %arg7[%dma_wait3A_121] : memref<10240xf32, #tpu.memory_space<vmem_shared>> -> memref<10240xf32, #tpu.memory_space<vmem_shared>>
    tpu.wait_indirect_dma semaphore(%arg8 : memref<!tpu.dma_semaphore, #tpu.memory_space<semaphore_mem>>) src(%arg5 : memref<128xf32, #tpu.memory_space<vmem>>) dst(%dma_wait3A_122 : memref<10240xf32, #tpu.memory_space<vmem_shared>>)
    %dma_wait3A_123 = arith.constant 73 : i32
    %dma_wait3A_124 = arith.constant 0 : i32
    %dma_wait3A_125 = tpu.memref_slice %arg4[%dma_wait3A_123, %dma_wait3A_124] : memref<80x128xi32, #tpu.memory_space<vmem>> -> memref<1x128xi32, #tpu.memory_space<vmem>>
    %dma_wait3A_126 = tpu.memref_squeeze %dma_wait3A_125 : memref<1x128xi32, #tpu.memory_space<vmem>> -> memref<128xi32, #tpu.memory_space<vmem>>
    %dma_wait3A_127 = arith.constant 0 : i32
    %dma_wait3A_128 = tpu.memref_slice %arg7[%dma_wait3A_127] : memref<10240xf32, #tpu.memory_space<vmem_shared>> -> memref<10240xf32, #tpu.memory_space<vmem_shared>>
    tpu.wait_indirect_dma semaphore(%arg8 : memref<!tpu.dma_semaphore, #tpu.memory_space<semaphore_mem>>) src(%arg5 : memref<128xf32, #tpu.memory_space<vmem>>) dst(%dma_wait3A_128 : memref<10240xf32, #tpu.memory_space<vmem_shared>>)
    %dma_wait3A_129 = arith.constant 74 : i32
    %dma_wait3A_130 = arith.constant 0 : i32
    %dma_wait3A_131 = tpu.memref_slice %arg4[%dma_wait3A_129, %dma_wait3A_130] : memref<80x128xi32, #tpu.memory_space<vmem>> -> memref<1x128xi32, #tpu.memory_space<vmem>>
    %dma_wait3A_132 = tpu.memref_squeeze %dma_wait3A_131 : memref<1x128xi32, #tpu.memory_space<vmem>> -> memref<128xi32, #tpu.memory_space<vmem>>
    %dma_wait3A_133 = arith.constant 0 : i32
    %dma_wait3A_134 = tpu.memref_slice %arg7[%dma_wait3A_133] : memref<10240xf32, #tpu.memory_space<vmem_shared>> -> memref<10240xf32, #tpu.memory_space<vmem_shared>>
    tpu.wait_indirect_dma semaphore(%arg8 : memref<!tpu.dma_semaphore, #tpu.memory_space<semaphore_mem>>) src(%arg5 : memref<128xf32, #tpu.memory_space<vmem>>) dst(%dma_wait3A_134 : memref<10240xf32, #tpu.memory_space<vmem_shared>>)
    %dma_wait3A_135 = arith.constant 75 : i32
    %dma_wait3A_136 = arith.constant 0 : i32
    %dma_wait3A_137 = tpu.memref_slice %arg4[%dma_wait3A_135, %dma_wait3A_136] : memref<80x128xi32, #tpu.memory_space<vmem>> -> memref<1x128xi32, #tpu.memory_space<vmem>>
    %dma_wait3A_138 = tpu.memref_squeeze %dma_wait3A_137 : memref<1x128xi32, #tpu.memory_space<vmem>> -> memref<128xi32, #tpu.memory_space<vmem>>
    %dma_wait3A_139 = arith.constant 0 : i32
    %dma_wait3A_140 = tpu.memref_slice %arg7[%dma_wait3A_139] : memref<10240xf32, #tpu.memory_space<vmem_shared>> -> memref<10240xf32, #tpu.memory_space<vmem_shared>>
    tpu.wait_indirect_dma semaphore(%arg8 : memref<!tpu.dma_semaphore, #tpu.memory_space<semaphore_mem>>) src(%arg5 : memref<128xf32, #tpu.memory_space<vmem>>) dst(%dma_wait3A_140 : memref<10240xf32, #tpu.memory_space<vmem_shared>>)
    %dma_wait3A_141 = arith.constant 76 : i32
    %dma_wait3A_142 = arith.constant 0 : i32
    %dma_wait3A_143 = tpu.memref_slice %arg4[%dma_wait3A_141, %dma_wait3A_142] : memref<80x128xi32, #tpu.memory_space<vmem>> -> memref<1x128xi32, #tpu.memory_space<vmem>>
    %dma_wait3A_144 = tpu.memref_squeeze %dma_wait3A_143 : memref<1x128xi32, #tpu.memory_space<vmem>> -> memref<128xi32, #tpu.memory_space<vmem>>
    %dma_wait3A_145 = arith.constant 0 : i32
    %dma_wait3A_146 = tpu.memref_slice %arg7[%dma_wait3A_145] : memref<10240xf32, #tpu.memory_space<vmem_shared>> -> memref<10240xf32, #tpu.memory_space<vmem_shared>>
    tpu.wait_indirect_dma semaphore(%arg8 : memref<!tpu.dma_semaphore, #tpu.memory_space<semaphore_mem>>) src(%arg5 : memref<128xf32, #tpu.memory_space<vmem>>) dst(%dma_wait3A_146 : memref<10240xf32, #tpu.memory_space<vmem_shared>>)
    %dma_wait3A_147 = arith.constant 77 : i32
    %dma_wait3A_148 = arith.constant 0 : i32
    %dma_wait3A_149 = tpu.memref_slice %arg4[%dma_wait3A_147, %dma_wait3A_148] : memref<80x128xi32, #tpu.memory_space<vmem>> -> memref<1x128xi32, #tpu.memory_space<vmem>>
    %dma_wait3A_150 = tpu.memref_squeeze %dma_wait3A_149 : memref<1x128xi32, #tpu.memory_space<vmem>> -> memref<128xi32, #tpu.memory_space<vmem>>
    %dma_wait3A_151 = arith.constant 0 : i32
    %dma_wait3A_152 = tpu.memref_slice %arg7[%dma_wait3A_151] : memref<10240xf32, #tpu.memory_space<vmem_shared>> -> memref<10240xf32, #tpu.memory_space<vmem_shared>>
    tpu.wait_indirect_dma semaphore(%arg8 : memref<!tpu.dma_semaphore, #tpu.memory_space<semaphore_mem>>) src(%arg5 : memref<128xf32, #tpu.memory_space<vmem>>) dst(%dma_wait3A_152 : memref<10240xf32, #tpu.memory_space<vmem_shared>>)
    %dma_wait3A_153 = arith.constant 78 : i32
    %dma_wait3A_154 = arith.constant 0 : i32
    %dma_wait3A_155 = tpu.memref_slice %arg4[%dma_wait3A_153, %dma_wait3A_154] : memref<80x128xi32, #tpu.memory_space<vmem>> -> memref<1x128xi32, #tpu.memory_space<vmem>>
    %dma_wait3A_156 = tpu.memref_squeeze %dma_wait3A_155 : memref<1x128xi32, #tpu.memory_space<vmem>> -> memref<128xi32, #tpu.memory_space<vmem>>
    %dma_wait3A_157 = arith.constant 0 : i32
    %dma_wait3A_158 = tpu.memref_slice %arg7[%dma_wait3A_157] : memref<10240xf32, #tpu.memory_space<vmem_shared>> -> memref<10240xf32, #tpu.memory_space<vmem_shared>>
    tpu.wait_indirect_dma semaphore(%arg8 : memref<!tpu.dma_semaphore, #tpu.memory_space<semaphore_mem>>) src(%arg5 : memref<128xf32, #tpu.memory_space<vmem>>) dst(%dma_wait3A_158 : memref<10240xf32, #tpu.memory_space<vmem_shared>>)
    %dma_wait3A_159 = arith.constant 79 : i32
    %dma_wait3A_160 = arith.constant 0 : i32
    %dma_wait3A_161 = tpu.memref_slice %arg4[%dma_wait3A_159, %dma_wait3A_160] : memref<80x128xi32, #tpu.memory_space<vmem>> -> memref<1x128xi32, #tpu.memory_space<vmem>>
    %dma_wait3A_162 = tpu.memref_squeeze %dma_wait3A_161 : memref<1x128xi32, #tpu.memory_space<vmem>> -> memref<128xi32, #tpu.memory_space<vmem>>
    %dma_wait3A_163 = arith.constant 0 : i32
    %dma_wait3A_164 = tpu.memref_slice %arg7[%dma_wait3A_163] : memref<10240xf32, #tpu.memory_space<vmem_shared>> -> memref<10240xf32, #tpu.memory_space<vmem_shared>>
    tpu.wait_indirect_dma semaphore(%arg8 : memref<!tpu.dma_semaphore, #tpu.memory_space<semaphore_mem>>) src(%arg5 : memref<128xf32, #tpu.memory_space<vmem>>) dst(%dma_wait3A_164 : memref<10240xf32, #tpu.memory_space<vmem_shared>>)
    %barrier3A_165 = arith.constant 0 : index
    tpu.barrier barrier_id(%barrier3A_165)
    %mul3A_166 = arith.constant 640 : i32
    %mul3A_167 = arith.muli %arg1, %mul3A_166 : i32
    %mul3A_168 = arith.constant 640 : i32
    %mul3A_169 = arith.muli %arg1, %mul3A_168 : i32
    "tpu.region"() ({
      %run_scoped3A = tpu.sem_alloc : memref<!tpu.dma_semaphore, #tpu.memory_space<semaphore_mem>>
      %dma_start3A = tpu.memref_slice %arg3[%arg0, %mul3A_169] : memref<2x10240xf32, #tpu.memory_space<hbm>> -> memref<1x640xf32, #tpu.memory_space<hbm>>
      %dma_start3A_170 = tpu.memref_squeeze %dma_start3A : memref<1x640xf32, #tpu.memory_space<hbm>> -> memref<640xf32, #tpu.memory_space<hbm>>
      %dma_start3A_171 = tpu.memref_slice %arg7[%mul3A_167] : memref<10240xf32, #tpu.memory_space<vmem_shared>> -> memref<640xf32, #tpu.memory_space<vmem_shared>>
      tpu.enqueue_dma source(%dma_start3A_171 : memref<640xf32, #tpu.memory_space<vmem_shared>>) target(%dma_start3A_170 : memref<640xf32, #tpu.memory_space<hbm>>) target_semaphore(%run_scoped3A : memref<!tpu.dma_semaphore, #tpu.memory_space<semaphore_mem>>)
      %dma_wait3A_172 = tpu.memref_slice %arg3[%arg0, %mul3A_169] : memref<2x10240xf32, #tpu.memory_space<hbm>> -> memref<1x640xf32, #tpu.memory_space<hbm>>
      %dma_wait3A_173 = tpu.memref_squeeze %dma_wait3A_172 : memref<1x640xf32, #tpu.memory_space<hbm>> -> memref<640xf32, #tpu.memory_space<hbm>>
      %dma_wait3A_174 = tpu.memref_slice %arg7[%mul3A_167] : memref<10240xf32, #tpu.memory_space<vmem_shared>> -> memref<640xf32, #tpu.memory_space<vmem_shared>>
      tpu.wait_dma2 semaphore(%run_scoped3A : memref<!tpu.dma_semaphore, #tpu.memory_space<semaphore_mem>>) src(%dma_wait3A_174 : memref<640xf32, #tpu.memory_space<vmem_shared>>) dst(%dma_wait3A_173 : memref<640xf32, #tpu.memory_space<hbm>>)
      tpu.yield
    }) : () -> ()
    return
  }
}

</mosaic_0001>

<sc_bundles>
// kernel: _sc_deg.3.cloned.1.call-start
scs
__scs_entry_jumppad:
0x0: {  	(pc) =	sbr.rel $0x88, $3  }
0x1: {  	(tag) =	ssettag $0x0;
	lr =	simm.s32 $0x1  }
0x2: {  	[smem:$0x3FA0] =	sst lr;
	_ =	strace $0xD0000000  }
0x3: {  	_ = 	snop  }
0x4: {  	_ = 	snop  }
0x5: {  	_ = 	snop  }
0x6: {  	_ = 	snop  }
0x7: {  	_ = 	snop  }
__scs_overlays_trampoline_lowered:
0x8: {  	[smem:$0x3FAF] =	sst s0  }
0x9: {  	[smem:$0x3FB0] =	sst s1  }
0xa: {  	[smem:$0x3FB1] =	sst s2  }
0xb: {  	[smem:$0x3FB2] =	sst s3  }
0xc: {  	[smem:$0x3FB3] =	sst s4  }
0xd: {  	[smem:$0x3FB4] =	sst s5  }
0xe: {  	[smem:$0x3FB5] =	sst s6  }
0xf: {  	[smem:$0x3FB6] =	sst s7  }
0x10: {  	[smem:$0x3FB7] =	sst s8  }
0x11: {  	[smem:$0x3FB8] =	sst s9;
	s0 =	simm.s32 @!p0 $0x0  }
0x12: {  	s1 =	sld [smem:$0x3F9E];
	s0 =	simm.s32 @p0 $0x1  }
0x13: {  	[smem:$0x3FB9] =	sst s0;
	s0 =	simm.s32 @!p1 $0x0  }
0x14: {  	s2 =	sld [smem:$0x3F9D];
	s0 =	simm.s32 @p1 $0x1  }
0x15: {  	[smem:$0x3FBA] =	sst s0;
	s0 =	simm.s32 @!p2 $0x0  }
0x16: {  	s3 =	sld [smem:$0x3FDB];
	s0 =	simm.s32 @p2 $0x1  }
0x17: {  	s4 =	simm.s32 $0x1BF5;
	[smem:$0x3FBC] =	sst s0  }
0x18: {  	s0 =	sld [smem:$0x3F9F];
	_ =	swait.ge [sflag:s4], $0x0  }
0x19: {  	s7 =	sld [smem:$0x3FA0]  }
0x1a: {  	s8 =	sadd.s32 $0xFFFFE003, lr  }
0x1b: {  	s9 =	sadd.s32 $0xFFFFFEF7, lr;
	s5 =	simm.s32 $0xFFFFFFFF;
	p2 =	slt.u32 s8, $0xFFFFF086  }
0x1c: {  	p1 =	slt.u32 s9, $0xF7A;
	s5 =	simm.s32 @!p2 $0x0  }
0x1d: {  	s5 =	simm.s32 @p1 $0x1;
	p0 =	seq.s32 s7, s2  }
0x1e: {  	s7 =	smul.u32 @!p0 $0xF7A, s2;
	p2 =	seq.s32 @!p0 s5, $0x0  }
0x1f: {  	s9 =	smul.u32 $0xF7A, s1;
	s8 =	simm.s32 @!p0 $0x1BF5;
	p2 =	por !p2, p0  }
0x20: {  	[sflag:s8] =	ssyncset.s32 @!p0 $0xFFFFF086;
	s6 =	sadd.s32 @!p0 s3, s7;
	s7 =	simm.s32 @!p0 $0x108  }
0x21: {  	s3 =	sadd.s32 s3, s9;
	s6 =	sadd.s32 @!p0 $0x88, s6;
	s7 =	simm.s32 @p2 $0x1082  }
0x22: {  	[simem:s7], [sflag:s8] =	dma.local @!p0 [hbm:s6], $0xF7A  }
0x23: {  	s9 =	sor.u32 $0xD0000000, s2;
	s6 =	simm.s32 $0x108;
	_ =	swait.ge @!p0 [sflag:s8], $0x0  }
0x24: {  	s3 =	sadd.s32 $0x88, s3;
	s6 =	simm.s32 @!p1 $0x1082;
	[sflag:s4] =	ssyncset.s32 $0xFFFFF086  }
0x25: {  	[simem:s6], [sflag:s4] =	dma.local [hbm:s3], $0xF7A  }
0x26: {  	[smem:$0x3FA0] =	sst s1;
	(tag) =	ssettag s2;
	_ =	strace s9  }
0x27: {  	s1 =	sld [smem:$0x3FB0]  }
0x28: {  	s2 =	sld [smem:$0x3FB1]  }
0x29: {  	s4 =	sld [smem:$0x3FB3]  }
0x2a: {  	p0 =	seq.s32 s5, $0x0;
	s5 =	sld [smem:$0x3FB4]  }
0x2b: {  	s6 =	sld [smem:$0x3FB5]  }
0x2c: {  	s7 =	sld [smem:$0x3FB6]  }
0x2d: {  	s3 =	simm.s32 $0x108;
	s8 =	sld [smem:$0x3FB7]  }
0x2e: {  	s3 =	simm.s32 @!p0 $0x1082;
	s9 =	sld [smem:$0x3FB8]  }
0x2f: {  	lr =	sadd.s32 s0, s3;
	s0 =	sld [smem:$0x3FAF]  }
0x30: {  	s3 =	sld [smem:$0x3FB2]  }
0x31: {  	[smem:$0x3FBB] =	sst s10  }
0x32: {  	s10 =	sld [smem:$0x3FB9];
	_ =	sdelay $0x3  }
0x33: {  	p0 =	seq.s32 s10, $0x1;
	s10 =	sld [smem:$0x3FBB];
	_ =	sdelay $0x3  }
0x34: {  	[smem:$0x3FBB] =	sst s10  }
0x35: {  	s10 =	sld [smem:$0x3FBA];
	_ =	sdelay $0x3  }
0x36: {  	p1 =	seq.s32 s10, $0x1;
	s10 =	sld [smem:$0x3FBB];
	_ =	sdelay $0x3  }
0x37: {  	[smem:$0x3FBB] =	sst s10  }
0x38: {  	s10 =	sld [smem:$0x3FBC]  }
0x39: {  	_ = 	snop;
	(pc) =	sbr.ind lr, $3  }
0x3a: {  	_ = 	snop  }
0x3b: {  	_ = 	snop  }
0x3c: {  	p2 =	seq.s32 s10, $0x1;
	s10 =	sld [smem:$0x3FBB]  }
0x3d: {  	_ =	shalt  }
0x3e: {  	_ =	shalt  }
0x3f: {  	_ =	shalt  }
0x40: {  	_ =	shalt  }
0x41: {  	_ =	shalt  }
0x42: {  	_ =	shalt  }
0x43: {  	_ =	shalt  }
0x44: {  	_ =	shalt  }
0x45: {  	_ =	shalt  }
0x46: {  	_ =	shalt  }
0x47: {  	_ =	shalt  }
0x48: {  	_ =	shalt  }
0x49: {  	_ =	shalt  }
0x4a: {  	_ =	shalt  }
0x4b: {  	_ =	shalt  }
0x4c: {  	_ =	shalt  }
0x4d: {  	_ =	shalt  }
0x4e: {  	_ =	shalt  }
0x4f: {  	_ =	shalt  }
0x50: {  	_ =	shalt  }
0x51: {  	_ =	shalt  }
0x52: {  	_ =	shalt  }
0x53: {  	_ =	shalt  }
0x54: {  	_ =	shalt  }
0x55: {  	_ =	shalt  }
0x56: {  	_ =	shalt  }
0x57: {  	_ =	shalt  }
0x58: {  	_ =	shalt  }
0x59: {  	_ =	shalt  }
0x5a: {  	_ =	shalt  }
0x5b: {  	_ =	shalt  }
0x5c: {  	_ =	shalt  }
0x5d: {  	_ =	shalt  }
0x5e: {  	_ =	shalt  }
0x5f: {  	_ =	shalt  }
0x60: {  	_ =	shalt  }
0x61: {  	_ =	shalt  }
0x62: {  	_ =	shalt  }
0x63: {  	_ =	shalt  }
0x64: {  	_ =	shalt  }
0x65: {  	_ =	shalt  }
0x66: {  	_ =	shalt  }
0x67: {  	_ =	shalt  }
0x68: {  	_ =	shalt  }
0x69: {  	_ =	shalt  }
0x6a: {  	_ =	shalt  }
0x6b: {  	_ =	shalt  }
0x6c: {  	_ =	shalt  }
0x6d: {  	_ =	shalt  }
0x6e: {  	_ =	shalt  }
0x6f: {  	_ =	shalt  }
0x70: {  	_ =	shalt  }
0x71: {  	_ =	shalt  }
0x72: {  	_ =	shalt  }
0x73: {  	_ =	shalt  }
0x74: {  	_ =	shalt  }
0x75: {  	_ =	shalt  }
0x76: {  	_ =	shalt  }
0x77: {  	_ =	shalt  }
0x78: {  	_ =	shalt  }
0x79: {  	_ =	shalt  }
0x7a: {  	_ =	shalt  }
0x7b: {  	_ =	shalt  }
0x7c: {  	_ =	shalt  }
0x7d: {  	_ =	shalt  }
0x7e: {  	_ =	shalt  }
0x7f: {  	_ =	shalt  }
0x80: {  	_ =	shalt  }
0x81: {  	_ =	shalt  }
0x82: {  	_ =	shalt  }
0x83: {  	_ =	shalt  }
0x84: {  	_ =	shalt  }
0x85: {  	_ =	shalt  }
0x86: {  	_ =	shalt  }
0x87: {  	_ =	shalt  }
.Lfunc_end0:
.L_simem_size_0:
called_computation_lowered:
.L_overlay_start_0:
0x88: {  	s2 =	sld [smem:$0x3FD9]  }
0x89: {  	s3 =	sld [smem:$0x3FFE];
	_ =	sdelay $0x1  }
0x8a: {  	s1 =	srdreg.scid  }
0x8b: {  	s0 =	sand.u32 $0x1, s1  }
0x8c: {  	s18 =	sshll.u32 s0, $0xA;
	s2 =	sadd.s32 s3, s2  }
0x8d: {  	s2 =	sadd.s32 s2, s18  }
0x8e: {  	[smem:$0x3FC7] =	sst s2  }
0x8f: {  	_ = 	snop  }
0x90: {  	s2 =	sld [smem:$0x3FC9]  }
0x91: {  	s19 =	sld [smem:$0x3FD0];
	(tm) =	ssettm $0x1  }
0x92: {  	s4 =	sld [smem:$0x3FFB];
	_ =	sdelay $0x3  }
0x93: {  	_ =	strace s4  }
0x94: {  	s4 =	sld [smem:$0x3FFC];
	_ =	sdelay $0x3  }
0x95: {  	_ =	strace s4  }
0x96: {  	s4 =	sld [smem:$0x3FFD];
	_ =	sdelay $0x3  }
0x97: {  	_ =	strace s4  }
0x98: {  	_ =	strace $0x8FFFFFFF  }
0x99: {  	s20 =	sld [smem:$0x3FDB];
	_ =	sdelay $0x1  }
0x9a: {  	s5 =	simm.s32 $_scs_section_size  }
0x9b: {  	s6 =	simm.s32 $_size__tile_overlayer_lowered;
	s7 =	simm.s32 $_tile_overlayer_lowered  }
0x9c: {  	s23 =	simm.s32 $0x1BFF;
	s22 =	sshll.u32 s7, $0x1;
	s4 =	sadd.s32 s5, s20  }
0x9d: {  	s8 =	simm.s32 $0x0;
	s21 =	sshll.u32 s6, $0x1;
	s6 =	sadd.s32 s22, s4  }
0x9e: {  	[timem:s8], [sflag:s23] =	dma.local [hbm:s6], s21  }
0x9f: {  	_ =	swait.ge [sflag:s23], s21  }
0xa0: {  	s5 =	ssub.s32 $0x0, s21;
	[sflag:s23] =	ssyncset.done $0x0  }
0xa1: {  	[sflag:s23] =	ssyncadd.s32 s5;
	_ =	sdelay $0x1  }
0xa2: {  	s24 =	simm.s32 $0x1B8B  }
0xa3: {  	_ =	swait.ge [sflag:s24], $0x1  }
0xa4: {  	[sflag:s24] =	ssyncset.done $0x0  }
0xa5: {  	s25 =	simm.s32 $0x1B8E;
	[sflag:s24] =	ssyncadd.s32 $0xFFFFFFFF  }
0xa6: {  	s26 =	simm.s32 $execute0_lowered;
	[smem:$0x3FD2] =	sst s25  }
0xa7: {  	s5 =	sshll.u32 s26, $0x1;
	_ =	strace $0x80000046;
	[dreg:$0x1] =	wrdreg $0xFFFFFFFF  }
0xa8: {  	s28 =	simm.s32 $_size_execute0_lowered;
	s4 =	sadd.s32 s4, s5;
	[dreg:$0x0] =	wrdreg $0x0  }
0xa9: {  	s5 =	sshll.u32 s28, $0x1;
	[dreg:$0x2] =	wrdreg s4  }
0xaa: {  	[dreg:$0x3] =	wrdreg s5  }
0xab: {  	[dreg:$0x4] =	wrdreg $0xC0  }
0xac: {  	_ =	task [dreg:s8], $0x5FFFF  }
0xad: {  	[dreg:$0x1] =	wrdreg $0xFFFFFFFF  }
0xae: {  	[dreg:$0x0] =	wrdreg $0x60  }
0xaf: {  	[dreg:$0x2] =	wrdreg s2  }
0xb0: {  	[dreg:$0x3] =	wrdreg s19  }
0xb1: {  	[dreg:$0x4] =	wrdreg $0x29000  }
0xb2: {  	[dreg:$0x5] =	wrdreg $0x9  }
0xb3: {  	_ =	task.clear_ibuf [dreg:s8], $0x6FFFF;
	_ =	strace $0x90000046  }
0xb4: {  	s29 =	simm.s32 $0x9;
	_ =	strace $0x80000048  }
0xb5: {  	_ =	swait.ge [sflag:s29], $0x1  }
0xb6: {  	[sflag:s29] =	ssyncadd.s32 $0xFFFFFFFF  }
0xb7: {  	_ =	strace $0x90000048  }
0xb8: {  	_ =	sfence  }
0xb9: {  	s30 =	sld [smem:$0x0];
	_ =	sdelay $0x2  }
0xba: {  	s31 =	sshll.u32 s1, $0xD;
	s1 =	sshrl.u32 s1, $0x2  }
0xbb: {  	s3 =	sand.u32 $0x4000, s31;
	s1 =	sadd.s32 s1, s30  }
0xbc: {  	s0 =	sor.u32 s3, s0;
	s1 =	sshll.u32 s1, $0x11  }
0xbd: {  	s0 =	sor.u32 s1, s0  }
0xbe: {  	s0 =	sadd.s32 $0x8F2B, s0  }
0xbf: {  	[sflag:s0] =	ssyncadd.remote.s32 $0x1  }
0xc0: {  	_ =	sfence.sel $0xFFFF  }
0xc1: {  	[dreg:$0x0] =	wrdreg $0xFFFFFFFF;
	(pc) =	sbr.abs _section_cstart, $3  }
0xc2: {  	[dreg:$0x1] =	wrdreg $0xFFFFFFFF  }
0xc3: {  	_ =	task.clear_ibuf [dreg:s8], $0x2FFFF;
	_ =	strace $0x9FFFFFFF  }
0xc4: {  	(tm) =	ssettm $0x7FFFFFFF  }
0xc5: {  	_ =	shalt  }
tec
execute0_lowered:
.L_overlay_start_1:
0x0: {  	(tag) =	ssettag $0x1  }
0x1: {  	s9 =	rddreg [dreg:$0x0]  }
0x2: {  	s10 =	rddreg [dreg:$0x1]  }
0x3: {  	s2 =	rddreg [dreg:$0x2]  }
0x4: {  	s0 =	rddreg [dreg:$0x3]  }
0x5: {  	s1 =	stileid.u32;
	s3 =	simm.s32 $0x0;
	s4 =	srdreg.scid  }
0x6: {  	s16 =	simm.s32 $0x1;
	s19 =	simm.s32 $0x20;
	s20 =	simm.s32 $0x10  }
0x7: {  	s21 =	simm.s32 $0x0;
	s11 =	smul.u32 $0xA00, s1;
	[smem:$0x7FF] =	sst s3  }
0x8: {  	s12 =	sand.u32 $0x1, s4;
	s8 =	smul.u32 $0x500, s1;
	s17 =	sshll.u32 s1, $0x6  }
0x9: {  	_ =	strace $0x80000047;
	s5 =	ssub.s32 $0x2, s12;
	s14 =	sshll.u32 s12, $0x7  }
0xa: {  	s15 =	smul.u32 $0x500, s12;
	s12 =	simm.s32 $0x2;
	s17 =	sor.u32 $0x1C02, s17  }
0xb: {  	s29 =	sshrl.u32 s11, $0x2;
	s6 =	sshrl.u32 s5, $0x1;
	s14 =	sor.u32 s14, s8  }
0xc: {  	s31 =	sadd.s32 s9, s11;
	s11 =	simm.s32 $0x2880;
	s4 =	sadd.s32 s29, s2  }
0xd: {  	s13 =	ssub.s32 s5, s6;
	s30 =	sshrl.u32 s14, $0x3;
	s14 =	simm.s32 $0x80  }
0xe: {  	s5 =	sadd.s32 $0x80, s4;
	s6 =	sadd.s32 $0x100, s4;
	s7 =	sadd.s32 $0x180, s4  }
0xf: {  	s8 =	sadd.s32 $0x200, s4;
	s9 =	sadd.s32 s10, s30;
	s10 =	smax.u32 s13, $0x1  }
0x10: {  	v0 =	vimm.f32 $1.000000000e+00;
	v1 =	vimm.f32 $0.0e+00;
	s13 =	sadd.s32 s15, s31;
	s15 =	simm.s32 $0x2800;
	s18 =	sshrl.u32 s4, $0x3  }
.LBB2_1:
0x11: {  	[tilespmem:$0x2800] =	vst v0  }
0x12: {  	[tilespmem:$0x2880] =	vst v1  }
0x13: {  	[tilespmem:$0x2810] =	vst v0  }
0x14: {  	[tilespmem:$0x2890] =	vst v1  }
0x15: {  	[tilespmem:$0x2820] =	vst v0  }
0x16: {  	[tilespmem:$0x28A0] =	vst v1  }
0x17: {  	[tilespmem:$0x2830] =	vst v0  }
0x18: {  	[tilespmem:$0x28B0] =	vst v1  }
0x19: {  	[tilespmem:$0x2840] =	vst v0  }
0x1a: {  	[tilespmem:$0x28C0] =	vst v1  }
0x1b: {  	[tilespmem:$0x2850] =	vst v0  }
0x1c: {  	[tilespmem:$0x28D0] =	vst v1  }
0x1d: {  	[tilespmem:$0x2860] =	vst v0  }
0x1e: {  	[tilespmem:$0x28E0] =	vst v1  }
0x1f: {  	[tilespmem:$0x2870] =	vst v0  }
0x20: {  	[tilespmem:$0x28F0] =	vst v1  }
0x21: {  	[spmem:s4] =	stream.linear.scatter [tilespmem:s11], [sflag:$0x2], $0x80, $0x38;
	[tilespmem:$0x2B80] =	vst v63  }
0x22: {  	_ =	swait.ge [sflag:s12], $0x80  }
0x23: {  	[sflag:s12] =	ssyncset.done $0x0  }
0x24: {  	[sflag:s12] =	ssyncadd.s32 $0xFFFFFF80  }
0x25: {  	[spmem:s5] =	stream.linear.scatter [tilespmem:s11], [sflag:$0x2], $0x80, $0x38;
	[tilespmem:$0x2B80] =	vst v63  }
0x26: {  	_ =	swait.ge [sflag:s12], $0x80  }
0x27: {  	[sflag:s12] =	ssyncset.done $0x0  }
0x28: {  	[sflag:s12] =	ssyncadd.s32 $0xFFFFFF80  }
0x29: {  	[spmem:s6] =	stream.linear.scatter [tilespmem:s11], [sflag:$0x2], $0x80, $0x38;
	[tilespmem:$0x2B80] =	vst v63  }
0x2a: {  	_ =	swait.ge [sflag:s12], $0x80  }
0x2b: {  	[sflag:s12] =	ssyncset.done $0x0  }
0x2c: {  	[sflag:s12] =	ssyncadd.s32 $0xFFFFFF80  }
0x2d: {  	[spmem:s7] =	stream.linear.scatter [tilespmem:s11], [sflag:$0x2], $0x80, $0x38;
	[tilespmem:$0x2B80] =	vst v63  }
0x2e: {  	_ =	swait.ge [sflag:s12], $0x80  }
0x2f: {  	[sflag:s12] =	ssyncset.done $0x0  }
0x30: {  	[sflag:s12] =	ssyncadd.s32 $0xFFFFFF80  }
0x31: {  	[spmem:s8] =	stream.linear.scatter [tilespmem:s11], [sflag:$0x2], $0x80, $0x38;
	[tilespmem:$0x2B80] =	vst v63  }
0x32: {  	_ =	swait.ge [sflag:s12], $0x80  }
0x33: {  	[sflag:s12] =	ssyncset.done $0x0  }
0x34: {  	[sflag:s12] =	ssyncadd.s32 $0xFFFFFF80  }
0x35: {  	[bflag:$0x0] =	sbarrier.arrive $0xFFFF  }
0x36: {  	[tilespmem:s3], [sflag:$0x2] =	stream.linear.gather [hbm4b:s13+s3], $0x2800, $0x38;
	[tilespmem:$0x2B80] =	vst v63  }
0x37: {  	_ =	swait.ge [sflag:s12], $0x2800  }
0x38: {  	p0 =	por $0x1, $0x1;
	[sflag:s12] =	ssyncset.done $0x0  }
0x39: {  	s24 =	simm.s32 @!p0 $0x1;
	[sflag:s12] =	ssyncadd.s32 $0xFFFFD800  }
0x3a: {  	[spmem:s2] =	stream.indirect.scatter.add.f32 [tilespmem:s15], [sflag:$0x1], $0x1, s3, s14, $0xb8;
	[tilespmem:$0x2B80] =	vst v63  }
0x3b: {  	_ =	swait.ge @!p0 [sflag:s24], $0x80  }
0x3c: {  	s22 =	simm.s32 $0x1;
	s23 =	simm.s32 $0x0;
	[sflag:s24] =	ssyncset.done @!p0 $0x0  }
.LBB2_2:
0x3d: {  	[sflag:s24] =	ssyncadd.s32 @!p0 $0xFFFFFF80  }
0x3e: {  	s23 =	sadd.s32 $0x80, s23;
	s24 =	smov.u32 s22;
	s22 =	sadd.s32 $0x1, s22  }
0x3f: {  	p1 =	sne.s32 s22, $0x50  }
0x40: {  	[spmem:s2] =	stream.indirect.scatter.add.f32 [tilespmem:s15], [sflag:$0x1], $0x1, s23, s14, $0xb8;
	[tilespmem:$0x2B80] =	vst v63  }
.Ltmp0:
0x41: {  	_ = 	snop;
	(pc) =	sbr.rel @p1 .LBB2_2-.Ltmp0, $4  }
0x42: {  	p0 =	slt.u32 s24, $0x8  }
0x43: {  	s24 =	simm.s32 @!p0 $0x1  }
0x44: {  	_ =	swait.ge @!p0 [sflag:s24], $0x80  }
0x45: {  	[sflag:s24] =	ssyncset.done @!p0 $0x0  }
0x46: {  	[sflag:s24] =	ssyncadd.s32 @!p0 $0xFFFFFF80  }
0x47: {  	_ =	swait.ge [sflag:s16], $0x80  }
0x48: {  	[sflag:s16] =	ssyncset.done $0x0  }
0x49: {  	[sflag:s16] =	ssyncadd.s32 $0xFFFFFF80  }
0x4a: {  	_ =	swait.ge [sflag:s16], $0x80  }
0x4b: {  	[sflag:s16] =	ssyncset.done $0x0  }
0x4c: {  	[sflag:s16] =	ssyncadd.s32 $0xFFFFFF80  }
0x4d: {  	_ =	swait.ge [sflag:s16], $0x80  }
0x4e: {  	[sflag:s16] =	ssyncset.done $0x0  }
0x4f: {  	[sflag:s16] =	ssyncadd.s32 $0xFFFFFF80  }
0x50: {  	_ =	swait.ge [sflag:s16], $0x80  }
0x51: {  	[sflag:s16] =	ssyncset.done $0x0  }
0x52: {  	[sflag:s16] =	ssyncadd.s32 $0xFFFFFF80  }
0x53: {  	_ =	swait.ge [sflag:s16], $0x80  }
0x54: {  	[sflag:s16] =	ssyncset.done $0x0  }
0x55: {  	[sflag:s16] =	ssyncadd.s32 $0xFFFFFF80  }
0x56: {  	_ =	swait.ge [sflag:s16], $0x80  }
0x57: {  	[sflag:s16] =	ssyncset.done $0x0  }
0x58: {  	[sflag:s16] =	ssyncadd.s32 $0xFFFFFF80  }
0x59: {  	_ =	swait.ge [sflag:s16], $0x80  }
0x5a: {  	[sflag:s16] =	ssyncset.done $0x0  }
0x5b: {  	[sflag:s16] =	ssyncadd.s32 $0xFFFFFF80  }
0x5c: {  	_ =	swait.ge [sflag:s16], $0x80  }
0x5d: {  	s21 =	sadd.s32 $0x1, s21;
	[sflag:s16] =	ssyncset.done $0x0  }
0x5e: {  	p0 =	sne.s32 s21, s10;
	[sflag:s16] =	ssyncadd.s32 $0xFFFFFF80  }
.Ltmp1:
0x5f: {  	[bflag:$0x0] =	sbarrier.arrive $0xFFFF;
	(pc) =	sbr.rel @p0 .LBB2_1-.Ltmp1, $4  }
0x60: {  	[hbm:s9@s19], [sflag:s17] =	dma.strided [spmem:s18@s20], $0x50, s16, $0x10   }
0x61: {  	_ =	swait.ge [sflag:s12], $0x50  }
0x62: {  	[sflag:s12] =	ssyncset.done $0x0  }
0x63: {  	[sflag:s12] =	ssyncadd.s32 $0xFFFFFFB0  }
0x64: {  	_ =	sfence.sel $0x180000  }
0x65: {  	[bflag:$0x0] =	sbarrier.arrive $0xFFFF  }
0x66: {  	p0 =	sne.s32 s1, $0x0;
	_ =	strace $0x90000047  }
0x67: {  	s0 =	sadd.s32 @!p0 $0x100000, s0;
	[bflag:$0x2] =	sbarrier.arrive $0xFFFF  }
0x68: {  	[sflag:s0] =	ssyncadd.tile.s32 @!p0 $0x1;
	_ =	shalt  }
.Lfunc_end2:
_tile_overlayer_lowered:
.L_overlay_start_2:
0x69: {  	(tag) =	ssettag $0x2  }
0x6a: {  	s0 =	rddreg [dreg:$0x0];
	s2 =	stileid.u32  }
0x6b: {  	s1 =	rddreg [dreg:$0x1];
	p0 =	sne.s32 s2, $0x0  }
0x6c: {  	s3 =	rddreg [dreg:$0x2];
	[bflag:$0x3] =	sbarrier.arrive $0xFFFF;
	s2 =	simm.s32 @!p0 $0x1C02  }
0x6d: {  	[timem:s3], [sflag:s2] =	dma.local @!p0 [hbm:s0], s1  }
0x6e: {  	s0 =	simm.s32 @!p0 $0x2  }
0x6f: {  	_ =	swait.ge @!p0 [sflag:s0], s1  }
0x70: {  	s1 =	ssub.s32 @!p0 $0x0, s1;
	[sflag:s0] =	ssyncset.done @!p0 $0x0  }
0x71: {  	[sflag:s0] =	ssyncadd.s32 @!p0 s1  }
0x72: {  	[bflag:$0x3] =	sbarrier.arrive $0xFFFF  }
0x73: {  	_ =	shalt  }

</sc_bundles>
